<compile_context>
chip_gen: v7x
topology: tpu7x:2x2x1
jax: 0.10.2.dev20260603
libtpu: 0.0.44.dev20260713+nightly
codegen_flags: <defaults>
</compile_context>

<pallas_src>
import jax
import jax.numpy as jnp
from jax.experimental import pallas as pl

_B, _C, _T = 16, 256, 2048
_K, _S = 1024, 4
_ROWS = _B * _T
_TILE = 2048
_GRID = _ROWS // _TILE


def _rvq_body(z_ref, cb_ref, cbt_ref, cnorm_ref, zq_ref, idx_ref, loss_ref):
    r = z_ref[...]
    zq = jnp.zeros_like(r)
    iota_k = jax.lax.broadcasted_iota(jnp.int32, (_TILE, _K), 1)
    lane = jax.lax.broadcasted_iota(jnp.int32, (1, 128), 1)
    loss_vec = jnp.zeros((1, 128), jnp.float32)
    for s in range(_S):
        scores = jax.lax.dot_general(
            r, cbt_ref[s], (((1,), (0,)), ((), ())),
            preferred_element_type=jnp.float32)
        rnorm = jnp.sum(r * r, axis=1, keepdims=True)
        dist = (rnorm + cnorm_ref[s]) - 2.0 * scores
        m = jnp.min(dist, axis=1, keepdims=True)
        idx = jnp.min(jnp.where(dist == m, iota_k, _K), axis=1)
        idx_ref[0, s, :] = idx
        onehot = (iota_k == idx[:, None]).astype(jnp.float32)
        q = jax.lax.dot_general(
            onehot, cb_ref[s], (((1,), (0,)), ((), ())),
            preferred_element_type=jnp.float32)
        zq = zq + q
        r = r - q
        loss_vec = loss_vec + jnp.where(lane == s, jnp.sum(r * r), 0.0)
    zq_ref[...] = zq
    loss_ref[0] = loss_vec


def kernel(z, codebooks):
    z_flat = jnp.transpose(z, (0, 2, 1)).reshape(_ROWS, _C)
    cbt = jnp.transpose(codebooks, (0, 2, 1))
    cnorm = jnp.sum(codebooks ** 2, axis=2)[:, None, :]
    zq_flat, indices, losses = pl.pallas_call(
        _rvq_body,
        grid=(_GRID,),
        in_specs=[
            pl.BlockSpec((_TILE, _C), lambda b: (b, 0)),
            pl.BlockSpec((_S, _K, _C), lambda b: (0, 0, 0)),
            pl.BlockSpec((_S, _C, _K), lambda b: (0, 0, 0)),
            pl.BlockSpec((_S, 1, _K), lambda b: (0, 0, 0)),
        ],
        out_specs=[
            pl.BlockSpec((_TILE, _C), lambda b: (b, 0)),
            pl.BlockSpec((1, _S, _T), lambda b: (b, 0, 0)),
            pl.BlockSpec((1, 1, 128), lambda b: (b, 0, 0)),
        ],
        out_shape=[
            jax.ShapeDtypeStruct((_ROWS, _C), jnp.float32),
            jax.ShapeDtypeStruct((_GRID, _S, _T), jnp.int32),
            jax.ShapeDtypeStruct((_GRID, 1, 128), jnp.float32),
        ],
    )(z_flat, codebooks, cbt, cnorm)
    zq = jnp.transpose(zq_flat.reshape(_B, _T, _C), (0, 2, 1))
    loss = jnp.sum(losses[:, 0, :_S]) / (_B * _C * _T) / _S
    return zq, indices, loss

# --- scband reference (transcript-rebuilt; emitter-appended) ---
"""Pipeline reference for scband-residual-vector-quantizer-33526514712761 (READ-ONLY COPY).

The authoritative reference and input builder live on the scoring server;
editing this copy changes nothing except your own understanding.
"""

import jax, jax.numpy as jnp
import numpy as np


def setup_inputs(seed: int = 0) -> dict:
    key = jax.random.key(seed)
    k1, k2 = jax.random.split(key)
    z = jax.random.normal(k1, (16, 256, 2048), dtype=jnp.float32)
    # 4 codebooks, each [num_vectors=1024, dim=256], init uniform(-1/K, 1/K)
    codebooks = jax.random.uniform(k2, (4, 1024, 256), minval=-1.0 / 1024, maxval=1.0 / 1024, dtype=jnp.float32)
    return {"z": z, "codebooks": codebooks}


def _vq(z, codebook):
    b, c, t = z.shape
    z_flat = jnp.transpose(z, (0, 2, 1)).reshape(-1, c)
    distances = (jnp.sum(z_flat ** 2, axis=1, keepdims=True)
                 + jnp.sum(codebook ** 2, axis=1)
                 - 2.0 * jnp.matmul(z_flat, codebook.T))
    min_indices = jnp.argmin(distances, axis=1)
    z_q_flat = jnp.take(codebook, min_indices, axis=0)
    z_q = jnp.transpose(z_q_flat.reshape(b, t, c), (0, 2, 1))
    commitment_loss = jnp.mean((jax.lax.stop_gradient(z_q) - z) ** 2)
    z_q = z + jax.lax.stop_gradient(z_q - z)
    return z_q, min_indices.reshape(b, t), commitment_loss


def reference(z, codebooks):
    z_q = jnp.zeros_like(z)
    residual = z
    indices_list = []
    commitment_loss_total = jnp.float32(0.0)
    num_codebooks = codebooks.shape[0]
    for i in range(num_codebooks):
        z_q_i, indices_i, commitment_loss_i = _vq(residual, codebooks[i])
        z_q = z_q + z_q_i
        residual = residual - jax.lax.stop_gradient(z_q_i)
        indices_list.append(indices_i)
        commitment_loss_total = commitment_loss_total + commitment_loss_i
    commitment_loss_total = commitment_loss_total / num_codebooks
    indices = jnp.stack(indices_list, axis=1)
    return (z_q, indices, commitment_loss_total)

if __name__ == "__main__":
    import jax
    _d = setup_inputs()
    print(jax.jit(kernel)(*tuple(_d.values())))

</pallas_src>

<mosaic_0001>
module attributes {stable_mosaic.version = 14 : i64} {
  func.func @_rvq_body(%arg0: i32, %arg1: memref<2048x256xf32, #tpu.memory_space<vmem>>, %arg2: memref<4x1024x256xf32, #tpu.memory_space<vmem>>, %arg3: memref<4x256x1024xf32, #tpu.memory_space<vmem>>, %arg4: memref<4x1x1024xf32, #tpu.memory_space<vmem>>, %arg5: memref<2048x256xf32, #tpu.memory_space<vmem>>, %arg6: memref<1x4x2048xi32, #tpu.memory_space<vmem>>, %arg7: memref<1x1x128xf32, #tpu.memory_space<vmem>>) attributes {dimension_semantics = [#tpu.dimension_semantics<arbitrary>], iteration_bounds = array<i64: 16>, scalar_prefetch = 0 : i64, scratch_operands = 0 : i64, tpu.core_type = #tpu.core_type<tc>, window_params = [{transform_indices = @transform_0, window_bounds = array<i64: 2048, 256>}, {pipeline_mode = #tpu.pipeline_mode<synchronous>, transform_indices = @transform_1, window_bounds = array<i64: 4, 1024, 256>}, {pipeline_mode = #tpu.pipeline_mode<synchronous>, transform_indices = @transform_2, window_bounds = array<i64: 4, 256, 1024>}, {pipeline_mode = #tpu.pipeline_mode<synchronous>, transform_indices = @transform_3, window_bounds = array<i64: 4, 1, 1024>}, {transform_indices = @transform_4, window_bounds = array<i64: 2048, 256>}, {transform_indices = @transform_5, window_bounds = array<i64: 1, 4, 2048>}, {transform_indices = @transform_6, window_bounds = array<i64: 1, 1, 128>}]} {
    %get3A = arith.constant 0 : index
    %get3A_0 = arith.constant 0 : index
    %get3A_1 = vector.load %arg1[%get3A, %get3A_0] : memref<2048x256xf32, #tpu.memory_space<vmem>>, vector<2048x256xf32>
    %broadcast_in_dim3A = arith.constant 0.000000e+00 : f32
    %broadcast_in_dim3A_2 = vector.broadcast %broadcast_in_dim3A : f32 to vector<2048x256xf32>
    %iota3A = tpu.iota {dimensions = array<i32: 1>} : vector<2048x1024xi32>
    %iota3A_3 = tpu.iota {dimensions = array<i32: 1>} : vector<1x128xi32>
    %broadcast_in_dim3A_4 = arith.constant 0.000000e+00 : f32
    %broadcast_in_dim3A_5 = vector.broadcast %broadcast_in_dim3A_4 : f32 to vector<1x128xf32>
    %get3A_6 = arith.constant 0 : index
    %get3A_7 = arith.constant 0 : index
    %get3A_8 = arith.constant 0 : index
    %get3A_9 = vector.load %arg3[%get3A_6, %get3A_7, %get3A_8] : memref<4x256x1024xf32, #tpu.memory_space<vmem>>, vector<1x256x1024xf32>
    %get3A_10 = vector.shape_cast %get3A_9 : vector<1x256x1024xf32> to vector<256x1024xf32>
    %dot_general3A = arith.constant dense<0.000000e+00> : vector<2048x1024xf32>
    %dot_general3A_11 = tpu.matmul %get3A_1, %get3A_10, %dot_general3A {dimension_numbers = #tpu.dot_dimension_numbers<[1], [0], [0], [1], [0, 0, 1, 1], [], []>, transpose_lhs_hint = false} : vector<2048x256xf32>, vector<256x1024xf32>, vector<2048x1024xf32> -> vector<2048x1024xf32>
    %mul3A = arith.mulf %get3A_1, %get3A_1 : vector<2048x256xf32>
    %reduce_sum3A = arith.constant dense<0.000000e+00> : vector<2048xf32>
    %reduce_sum3A_12 = vector.multi_reduction <add>, %mul3A, %reduce_sum3A [1] : vector<2048x256xf32> to vector<2048xf32>
    %broadcast_in_dim3A_13 = vector.shape_cast %reduce_sum3A_12 : vector<2048xf32> to vector<2048x1xf32>
    %get3A_14 = arith.constant 0 : index
    %get3A_15 = arith.constant 0 : index
    %get3A_16 = arith.constant 0 : index
    %get3A_17 = vector.load %arg4[%get3A_14, %get3A_15, %get3A_16] : memref<4x1x1024xf32, #tpu.memory_space<vmem>>, vector<1x1x1024xf32>
    %get3A_18 = vector.shape_cast %get3A_17 : vector<1x1x1024xf32> to vector<1x1024xf32>
    %add3A = vector.broadcast %broadcast_in_dim3A_13 : vector<2048x1xf32> to vector<2048x1024xf32>
    %add3A_19 = vector.broadcast %get3A_18 : vector<1x1024xf32> to vector<2048x1024xf32>
    %add3A_20 = arith.addf %add3A, %add3A_19 : vector<2048x1024xf32>
    %mul3A_21 = arith.constant 2.000000e+00 : f32
    %mul3A_22 = vector.broadcast %mul3A_21 : f32 to vector<2048x1024xf32>
    %mul3A_23 = arith.mulf %mul3A_22, %dot_general3A_11 : vector<2048x1024xf32>
    %sub3A = arith.subf %add3A_20, %mul3A_23 : vector<2048x1024xf32>
    %reduce_min3A = arith.constant dense<0x7F800000> : vector<2048xf32>
    %reduce_min3A_24 = vector.multi_reduction <minimumf>, %sub3A, %reduce_min3A [1] : vector<2048x1024xf32> to vector<2048xf32>
    %broadcast_in_dim3A_25 = vector.shape_cast %reduce_min3A_24 : vector<2048xf32> to vector<2048x1xf32>
    %eq3A = vector.broadcast %broadcast_in_dim3A_25 : vector<2048x1xf32> to vector<2048x1024xf32>
    %eq3A_26 = arith.cmpf oeq, %sub3A, %eq3A : vector<2048x1024xf32>
    %jit3A = arith.constant 1024 : i32
    %broadcast_in_dim3A_27 = vector.broadcast %jit3A : i32 to vector<2048x1024xi32>
    %select_n3A = arith.select %eq3A_26, %iota3A, %broadcast_in_dim3A_27 : vector<2048x1024xi1>, vector<2048x1024xi32>
    %reduce_min3A_28 = arith.constant dense<2147483647> : vector<2048xi32>
    %reduce_min3A_29 = vector.multi_reduction <minsi>, %select_n3A, %reduce_min3A_28 [1] : vector<2048x1024xi32> to vector<2048xi32>
    %swap3A = arith.constant 0 : index
    %swap3A_30 = arith.constant 0 : index
    %swap3A_31 = arith.constant 0 : index
    %swap3A_32 = vector.load %arg6[%swap3A, %swap3A_30, %swap3A_31] : memref<1x4x2048xi32, #tpu.memory_space<vmem>>, vector<1x1x2048xi32>
    %swap3A_33 = vector.shape_cast %swap3A_32 : vector<1x1x2048xi32> to vector<2048xi32>
    %swap3A_34 = vector.shape_cast %reduce_min3A_29 : vector<2048xi32> to vector<1x1x2048xi32>
    tpu.vector_store %arg6[%swap3A, %swap3A_30, %swap3A_31], %swap3A_34 {strides = array<i32>} : memref<1x4x2048xi32, #tpu.memory_space<vmem>>, vector<1x1x2048xi32>,
    %broadcast_in_dim3A_35 = vector.shape_cast %reduce_min3A_29 : vector<2048xi32> to vector<2048x1xi32>
    %eq3A_36 = vector.broadcast %broadcast_in_dim3A_35 : vector<2048x1xi32> to vector<2048x1024xi32>
    %eq3A_37 = arith.cmpi eq, %iota3A, %eq3A_36 : vector<2048x1024xi32>
    %convert_element_type3A = arith.extui %eq3A_37 : vector<2048x1024xi1> to vector<2048x1024xi32>
    %convert_element_type3A_38 = arith.sitofp %convert_element_type3A : vector<2048x1024xi32> to vector<2048x1024xf32>
    %get3A_39 = arith.constant 0 : index
    %get3A_40 = arith.constant 0 : index
    %get3A_41 = arith.constant 0 : index
    %get3A_42 = vector.load %arg2[%get3A_39, %get3A_40, %get3A_41] : memref<4x1024x256xf32, #tpu.memory_space<vmem>>, vector<1x1024x256xf32>
    %get3A_43 = vector.shape_cast %get3A_42 : vector<1x1024x256xf32> to vector<1024x256xf32>
    %dot_general3A_44 = arith.constant dense<0.000000e+00> : vector<2048x256xf32>
    %dot_general3A_45 = tpu.matmul %convert_element_type3A_38, %get3A_43, %dot_general3A_44 {dimension_numbers = #tpu.dot_dimension_numbers<[1], [0], [0], [1], [0, 0, 1, 1], [], []>, transpose_lhs_hint = false} : vector<2048x1024xf32>, vector<1024x256xf32>, vector<2048x256xf32> -> vector<2048x256xf32>
    %add3A_46 = arith.addf %broadcast_in_dim3A_2, %dot_general3A_45 : vector<2048x256xf32>
    %sub3A_47 = arith.subf %get3A_1, %dot_general3A_45 : vector<2048x256xf32>
    %eq3A_48 = arith.constant 0 : i32
    %eq3A_49 = vector.broadcast %eq3A_48 : i32 to vector<1x128xi32>
    %eq3A_50 = arith.cmpi eq, %iota3A_3, %eq3A_49 : vector<1x128xi32>
    %mul3A_51 = arith.mulf %sub3A_47, %sub3A_47 : vector<2048x256xf32>
    %reduce_sum3A_52 = vector.shape_cast %mul3A_51 : vector<2048x256xf32> to vector<1x2048x256xf32>
    %reduce_sum3A_53 = arith.constant dense<0.000000e+00> : vector<1xf32>
    %reduce_sum3A_54 = vector.multi_reduction <add>, %reduce_sum3A_52, %reduce_sum3A_53 [1, 2] : vector<1x2048x256xf32> to vector<1xf32>
    %reduce_sum3A_55 = vector.shape_cast %reduce_sum3A_54 : vector<1xf32> to vector<1x1x1xf32>
    %reduce_sum3A_56 = vector.extract %reduce_sum3A_55[0, 0, 0] : f32 from vector<1x1x1xf32>
    %jit3A_57 = arith.constant 0.000000e+00 : f32
    %broadcast_in_dim3A_58 = vector.broadcast %reduce_sum3A_56 : f32 to vector<1x128xf32>
    %broadcast_in_dim3A_59 = vector.broadcast %jit3A_57 : f32 to vector<1x128xf32>
    %select_n3A_60 = arith.select %eq3A_50, %broadcast_in_dim3A_58, %broadcast_in_dim3A_59 : vector<1x128xi1>, vector<1x128xf32>
    %add3A_61 = arith.addf %broadcast_in_dim3A_5, %select_n3A_60 : vector<1x128xf32>
    %get3A_62 = arith.constant 1 : index
    %get3A_63 = arith.constant 0 : index
    %get3A_64 = arith.constant 0 : index
    %get3A_65 = vector.load %arg3[%get3A_62, %get3A_63, %get3A_64] : memref<4x256x1024xf32, #tpu.memory_space<vmem>>, vector<1x256x1024xf32>
    %get3A_66 = vector.shape_cast %get3A_65 : vector<1x256x1024xf32> to vector<256x1024xf32>
    %dot_general3A_67 = arith.constant dense<0.000000e+00> : vector<2048x1024xf32>
    %dot_general3A_68 = tpu.matmul %sub3A_47, %get3A_66, %dot_general3A_67 {dimension_numbers = #tpu.dot_dimension_numbers<[1], [0], [0], [1], [0, 0, 1, 1], [], []>, transpose_lhs_hint = false} : vector<2048x256xf32>, vector<256x1024xf32>, vector<2048x1024xf32> -> vector<2048x1024xf32>
    %mul3A_69 = arith.mulf %sub3A_47, %sub3A_47 : vector<2048x256xf32>
    %reduce_sum3A_70 = arith.constant dense<0.000000e+00> : vector<2048xf32>
    %reduce_sum3A_71 = vector.multi_reduction <add>, %mul3A_69, %reduce_sum3A_70 [1] : vector<2048x256xf32> to vector<2048xf32>
    %broadcast_in_dim3A_72 = vector.shape_cast %reduce_sum3A_71 : vector<2048xf32> to vector<2048x1xf32>
    %get3A_73 = arith.constant 1 : index
    %get3A_74 = arith.constant 0 : index
    %get3A_75 = arith.constant 0 : index
    %get3A_76 = vector.load %arg4[%get3A_73, %get3A_74, %get3A_75] : memref<4x1x1024xf32, #tpu.memory_space<vmem>>, vector<1x1x1024xf32>
    %get3A_77 = vector.shape_cast %get3A_76 : vector<1x1x1024xf32> to vector<1x1024xf32>
    %add3A_78 = vector.broadcast %broadcast_in_dim3A_72 : vector<2048x1xf32> to vector<2048x1024xf32>
    %add3A_79 = vector.broadcast %get3A_77 : vector<1x1024xf32> to vector<2048x1024xf32>
    %add3A_80 = arith.addf %add3A_78, %add3A_79 : vector<2048x1024xf32>
    %mul3A_81 = arith.constant 2.000000e+00 : f32
    %mul3A_82 = vector.broadcast %mul3A_81 : f32 to vector<2048x1024xf32>
    %mul3A_83 = arith.mulf %mul3A_82, %dot_general3A_68 : vector<2048x1024xf32>
    %sub3A_84 = arith.subf %add3A_80, %mul3A_83 : vector<2048x1024xf32>
    %reduce_min3A_85 = arith.constant dense<0x7F800000> : vector<2048xf32>
    %reduce_min3A_86 = vector.multi_reduction <minimumf>, %sub3A_84, %reduce_min3A_85 [1] : vector<2048x1024xf32> to vector<2048xf32>
    %broadcast_in_dim3A_87 = vector.shape_cast %reduce_min3A_86 : vector<2048xf32> to vector<2048x1xf32>
    %eq3A_88 = vector.broadcast %broadcast_in_dim3A_87 : vector<2048x1xf32> to vector<2048x1024xf32>
    %eq3A_89 = arith.cmpf oeq, %sub3A_84, %eq3A_88 : vector<2048x1024xf32>
    %jit3A_90 = arith.constant 1024 : i32
    %broadcast_in_dim3A_91 = vector.broadcast %jit3A_90 : i32 to vector<2048x1024xi32>
    %select_n3A_92 = arith.select %eq3A_89, %iota3A, %broadcast_in_dim3A_91 : vector<2048x1024xi1>, vector<2048x1024xi32>
    %reduce_min3A_93 = arith.constant dense<2147483647> : vector<2048xi32>
    %reduce_min3A_94 = vector.multi_reduction <minsi>, %select_n3A_92, %reduce_min3A_93 [1] : vector<2048x1024xi32> to vector<2048xi32>
    %swap3A_95 = arith.constant 0 : index
    %swap3A_96 = arith.constant 1 : index
    %swap3A_97 = arith.constant 0 : index
    %swap3A_98 = vector.load %arg6[%swap3A_95, %swap3A_96, %swap3A_97] : memref<1x4x2048xi32, #tpu.memory_space<vmem>>, vector<1x1x2048xi32>
    %swap3A_99 = vector.shape_cast %swap3A_98 : vector<1x1x2048xi32> to vector<2048xi32>
    %swap3A_100 = vector.shape_cast %reduce_min3A_94 : vector<2048xi32> to vector<1x1x2048xi32>
    tpu.vector_store %arg6[%swap3A_95, %swap3A_96, %swap3A_97], %swap3A_100 {strides = array<i32>} : memref<1x4x2048xi32, #tpu.memory_space<vmem>>, vector<1x1x2048xi32>,
    %broadcast_in_dim3A_101 = vector.shape_cast %reduce_min3A_94 : vector<2048xi32> to vector<2048x1xi32>
    %eq3A_102 = vector.broadcast %broadcast_in_dim3A_101 : vector<2048x1xi32> to vector<2048x1024xi32>
    %eq3A_103 = arith.cmpi eq, %iota3A, %eq3A_102 : vector<2048x1024xi32>
    %convert_element_type3A_104 = arith.extui %eq3A_103 : vector<2048x1024xi1> to vector<2048x1024xi32>
    %convert_element_type3A_105 = arith.sitofp %convert_element_type3A_104 : vector<2048x1024xi32> to vector<2048x1024xf32>
    %get3A_106 = arith.constant 1 : index
    %get3A_107 = arith.constant 0 : index
    %get3A_108 = arith.constant 0 : index
    %get3A_109 = vector.load %arg2[%get3A_106, %get3A_107, %get3A_108] : memref<4x1024x256xf32, #tpu.memory_space<vmem>>, vector<1x1024x256xf32>
    %get3A_110 = vector.shape_cast %get3A_109 : vector<1x1024x256xf32> to vector<1024x256xf32>
    %dot_general3A_111 = arith.constant dense<0.000000e+00> : vector<2048x256xf32>
    %dot_general3A_112 = tpu.matmul %convert_element_type3A_105, %get3A_110, %dot_general3A_111 {dimension_numbers = #tpu.dot_dimension_numbers<[1], [0], [0], [1], [0, 0, 1, 1], [], []>, transpose_lhs_hint = false} : vector<2048x1024xf32>, vector<1024x256xf32>, vector<2048x256xf32> -> vector<2048x256xf32>
    %add3A_113 = arith.addf %add3A_46, %dot_general3A_112 : vector<2048x256xf32>
    %sub3A_114 = arith.subf %sub3A_47, %dot_general3A_112 : vector<2048x256xf32>
    %eq3A_115 = arith.constant 1 : i32
    %eq3A_116 = vector.broadcast %eq3A_115 : i32 to vector<1x128xi32>
    %eq3A_117 = arith.cmpi eq, %iota3A_3, %eq3A_116 : vector<1x128xi32>
    %mul3A_118 = arith.mulf %sub3A_114, %sub3A_114 : vector<2048x256xf32>
    %reduce_sum3A_119 = vector.shape_cast %mul3A_118 : vector<2048x256xf32> to vector<1x2048x256xf32>
    %reduce_sum3A_120 = arith.constant dense<0.000000e+00> : vector<1xf32>
    %reduce_sum3A_121 = vector.multi_reduction <add>, %reduce_sum3A_119, %reduce_sum3A_120 [1, 2] : vector<1x2048x256xf32> to vector<1xf32>
    %reduce_sum3A_122 = vector.shape_cast %reduce_sum3A_121 : vector<1xf32> to vector<1x1x1xf32>
    %reduce_sum3A_123 = vector.extract %reduce_sum3A_122[0, 0, 0] : f32 from vector<1x1x1xf32>
    %jit3A_124 = arith.constant 0.000000e+00 : f32
    %broadcast_in_dim3A_125 = vector.broadcast %reduce_sum3A_123 : f32 to vector<1x128xf32>
    %broadcast_in_dim3A_126 = vector.broadcast %jit3A_124 : f32 to vector<1x128xf32>
    %select_n3A_127 = arith.select %eq3A_117, %broadcast_in_dim3A_125, %broadcast_in_dim3A_126 : vector<1x128xi1>, vector<1x128xf32>
    %add3A_128 = arith.addf %add3A_61, %select_n3A_127 : vector<1x128xf32>
    %get3A_129 = arith.constant 2 : index
    %get3A_130 = arith.constant 0 : index
    %get3A_131 = arith.constant 0 : index
    %get3A_132 = vector.load %arg3[%get3A_129, %get3A_130, %get3A_131] : memref<4x256x1024xf32, #tpu.memory_space<vmem>>, vector<1x256x1024xf32>
    %get3A_133 = vector.shape_cast %get3A_132 : vector<1x256x1024xf32> to vector<256x1024xf32>
    %dot_general3A_134 = arith.constant dense<0.000000e+00> : vector<2048x1024xf32>
    %dot_general3A_135 = tpu.matmul %sub3A_114, %get3A_133, %dot_general3A_134 {dimension_numbers = #tpu.dot_dimension_numbers<[1], [0], [0], [1], [0, 0, 1, 1], [], []>, transpose_lhs_hint = false} : vector<2048x256xf32>, vector<256x1024xf32>, vector<2048x1024xf32> -> vector<2048x1024xf32>
    %mul3A_136 = arith.mulf %sub3A_114, %sub3A_114 : vector<2048x256xf32>
    %reduce_sum3A_137 = arith.constant dense<0.000000e+00> : vector<2048xf32>
    %reduce_sum3A_138 = vector.multi_reduction <add>, %mul3A_136, %reduce_sum3A_137 [1] : vector<2048x256xf32> to vector<2048xf32>
    %broadcast_in_dim3A_139 = vector.shape_cast %reduce_sum3A_138 : vector<2048xf32> to vector<2048x1xf32>
    %get3A_140 = arith.constant 2 : index
    %get3A_141 = arith.constant 0 : index
    %get3A_142 = arith.constant 0 : index
    %get3A_143 = vector.load %arg4[%get3A_140, %get3A_141, %get3A_142] : memref<4x1x1024xf32, #tpu.memory_space<vmem>>, vector<1x1x1024xf32>
    %get3A_144 = vector.shape_cast %get3A_143 : vector<1x1x1024xf32> to vector<1x1024xf32>
    %add3A_145 = vector.broadcast %broadcast_in_dim3A_139 : vector<2048x1xf32> to vector<2048x1024xf32>
    %add3A_146 = vector.broadcast %get3A_144 : vector<1x1024xf32> to vector<2048x1024xf32>
    %add3A_147 = arith.addf %add3A_145, %add3A_146 : vector<2048x1024xf32>
    %mul3A_148 = arith.constant 2.000000e+00 : f32
    %mul3A_149 = vector.broadcast %mul3A_148 : f32 to vector<2048x1024xf32>
    %mul3A_150 = arith.mulf %mul3A_149, %dot_general3A_135 : vector<2048x1024xf32>
    %sub3A_151 = arith.subf %add3A_147, %mul3A_150 : vector<2048x1024xf32>
    %reduce_min3A_152 = arith.constant dense<0x7F800000> : vector<2048xf32>
    %reduce_min3A_153 = vector.multi_reduction <minimumf>, %sub3A_151, %reduce_min3A_152 [1] : vector<2048x1024xf32> to vector<2048xf32>
    %broadcast_in_dim3A_154 = vector.shape_cast %reduce_min3A_153 : vector<2048xf32> to vector<2048x1xf32>
    %eq3A_155 = vector.broadcast %broadcast_in_dim3A_154 : vector<2048x1xf32> to vector<2048x1024xf32>
    %eq3A_156 = arith.cmpf oeq, %sub3A_151, %eq3A_155 : vector<2048x1024xf32>
    %jit3A_157 = arith.constant 1024 : i32
    %broadcast_in_dim3A_158 = vector.broadcast %jit3A_157 : i32 to vector<2048x1024xi32>
    %select_n3A_159 = arith.select %eq3A_156, %iota3A, %broadcast_in_dim3A_158 : vector<2048x1024xi1>, vector<2048x1024xi32>
    %reduce_min3A_160 = arith.constant dense<2147483647> : vector<2048xi32>
    %reduce_min3A_161 = vector.multi_reduction <minsi>, %select_n3A_159, %reduce_min3A_160 [1] : vector<2048x1024xi32> to vector<2048xi32>
    %swap3A_162 = arith.constant 0 : index
    %swap3A_163 = arith.constant 2 : index
    %swap3A_164 = arith.constant 0 : index
    %swap3A_165 = vector.load %arg6[%swap3A_162, %swap3A_163, %swap3A_164] : memref<1x4x2048xi32, #tpu.memory_space<vmem>>, vector<1x1x2048xi32>
    %swap3A_166 = vector.shape_cast %swap3A_165 : vector<1x1x2048xi32> to vector<2048xi32>
    %swap3A_167 = vector.shape_cast %reduce_min3A_161 : vector<2048xi32> to vector<1x1x2048xi32>
    tpu.vector_store %arg6[%swap3A_162, %swap3A_163, %swap3A_164], %swap3A_167 {strides = array<i32>} : memref<1x4x2048xi32, #tpu.memory_space<vmem>>, vector<1x1x2048xi32>,
    %broadcast_in_dim3A_168 = vector.shape_cast %reduce_min3A_161 : vector<2048xi32> to vector<2048x1xi32>
    %eq3A_169 = vector.broadcast %broadcast_in_dim3A_168 : vector<2048x1xi32> to vector<2048x1024xi32>
    %eq3A_170 = arith.cmpi eq, %iota3A, %eq3A_169 : vector<2048x1024xi32>
    %convert_element_type3A_171 = arith.extui %eq3A_170 : vector<2048x1024xi1> to vector<2048x1024xi32>
    %convert_element_type3A_172 = arith.sitofp %convert_element_type3A_171 : vector<2048x1024xi32> to vector<2048x1024xf32>
    %get3A_173 = arith.constant 2 : index
    %get3A_174 = arith.constant 0 : index
    %get3A_175 = arith.constant 0 : index
    %get3A_176 = vector.load %arg2[%get3A_173, %get3A_174, %get3A_175] : memref<4x1024x256xf32, #tpu.memory_space<vmem>>, vector<1x1024x256xf32>
    %get3A_177 = vector.shape_cast %get3A_176 : vector<1x1024x256xf32> to vector<1024x256xf32>
    %dot_general3A_178 = arith.constant dense<0.000000e+00> : vector<2048x256xf32>
    %dot_general3A_179 = tpu.matmul %convert_element_type3A_172, %get3A_177, %dot_general3A_178 {dimension_numbers = #tpu.dot_dimension_numbers<[1], [0], [0], [1], [0, 0, 1, 1], [], []>, transpose_lhs_hint = false} : vector<2048x1024xf32>, vector<1024x256xf32>, vector<2048x256xf32> -> vector<2048x256xf32>
    %add3A_180 = arith.addf %add3A_113, %dot_general3A_179 : vector<2048x256xf32>
    %sub3A_181 = arith.subf %sub3A_114, %dot_general3A_179 : vector<2048x256xf32>
    %eq3A_182 = arith.constant 2 : i32
    %eq3A_183 = vector.broadcast %eq3A_182 : i32 to vector<1x128xi32>
    %eq3A_184 = arith.cmpi eq, %iota3A_3, %eq3A_183 : vector<1x128xi32>
    %mul3A_185 = arith.mulf %sub3A_181, %sub3A_181 : vector<2048x256xf32>
    %reduce_sum3A_186 = vector.shape_cast %mul3A_185 : vector<2048x256xf32> to vector<1x2048x256xf32>
    %reduce_sum3A_187 = arith.constant dense<0.000000e+00> : vector<1xf32>
    %reduce_sum3A_188 = vector.multi_reduction <add>, %reduce_sum3A_186, %reduce_sum3A_187 [1, 2] : vector<1x2048x256xf32> to vector<1xf32>
    %reduce_sum3A_189 = vector.shape_cast %reduce_sum3A_188 : vector<1xf32> to vector<1x1x1xf32>
    %reduce_sum3A_190 = vector.extract %reduce_sum3A_189[0, 0, 0] : f32 from vector<1x1x1xf32>
    %jit3A_191 = arith.constant 0.000000e+00 : f32
    %broadcast_in_dim3A_192 = vector.broadcast %reduce_sum3A_190 : f32 to vector<1x128xf32>
    %broadcast_in_dim3A_193 = vector.broadcast %jit3A_191 : f32 to vector<1x128xf32>
    %select_n3A_194 = arith.select %eq3A_184, %broadcast_in_dim3A_192, %broadcast_in_dim3A_193 : vector<1x128xi1>, vector<1x128xf32>
    %add3A_195 = arith.addf %add3A_128, %select_n3A_194 : vector<1x128xf32>
    %get3A_196 = arith.constant 3 : index
    %get3A_197 = arith.constant 0 : index
    %get3A_198 = arith.constant 0 : index
    %get3A_199 = vector.load %arg3[%get3A_196, %get3A_197, %get3A_198] : memref<4x256x1024xf32, #tpu.memory_space<vmem>>, vector<1x256x1024xf32>
    %get3A_200 = vector.shape_cast %get3A_199 : vector<1x256x1024xf32> to vector<256x1024xf32>
    %dot_general3A_201 = arith.constant dense<0.000000e+00> : vector<2048x1024xf32>
    %dot_general3A_202 = tpu.matmul %sub3A_181, %get3A_200, %dot_general3A_201 {dimension_numbers = #tpu.dot_dimension_numbers<[1], [0], [0], [1], [0, 0, 1, 1], [], []>, transpose_lhs_hint = false} : vector<2048x256xf32>, vector<256x1024xf32>, vector<2048x1024xf32> -> vector<2048x1024xf32>
    %mul3A_203 = arith.mulf %sub3A_181, %sub3A_181 : vector<2048x256xf32>
    %reduce_sum3A_204 = arith.constant dense<0.000000e+00> : vector<2048xf32>
    %reduce_sum3A_205 = vector.multi_reduction <add>, %mul3A_203, %reduce_sum3A_204 [1] : vector<2048x256xf32> to vector<2048xf32>
    %broadcast_in_dim3A_206 = vector.shape_cast %reduce_sum3A_205 : vector<2048xf32> to vector<2048x1xf32>
    %get3A_207 = arith.constant 3 : index
    %get3A_208 = arith.constant 0 : index
    %get3A_209 = arith.constant 0 : index
    %get3A_210 = vector.load %arg4[%get3A_207, %get3A_208, %get3A_209] : memref<4x1x1024xf32, #tpu.memory_space<vmem>>, vector<1x1x1024xf32>
    %get3A_211 = vector.shape_cast %get3A_210 : vector<1x1x1024xf32> to vector<1x1024xf32>
    %add3A_212 = vector.broadcast %broadcast_in_dim3A_206 : vector<2048x1xf32> to vector<2048x1024xf32>
    %add3A_213 = vector.broadcast %get3A_211 : vector<1x1024xf32> to vector<2048x1024xf32>
    %add3A_214 = arith.addf %add3A_212, %add3A_213 : vector<2048x1024xf32>
    %mul3A_215 = arith.constant 2.000000e+00 : f32
    %mul3A_216 = vector.broadcast %mul3A_215 : f32 to vector<2048x1024xf32>
    %mul3A_217 = arith.mulf %mul3A_216, %dot_general3A_202 : vector<2048x1024xf32>
    %sub3A_218 = arith.subf %add3A_214, %mul3A_217 : vector<2048x1024xf32>
    %reduce_min3A_219 = arith.constant dense<0x7F800000> : vector<2048xf32>
    %reduce_min3A_220 = vector.multi_reduction <minimumf>, %sub3A_218, %reduce_min3A_219 [1] : vector<2048x1024xf32> to vector<2048xf32>
    %broadcast_in_dim3A_221 = vector.shape_cast %reduce_min3A_220 : vector<2048xf32> to vector<2048x1xf32>
    %eq3A_222 = vector.broadcast %broadcast_in_dim3A_221 : vector<2048x1xf32> to vector<2048x1024xf32>
    %eq3A_223 = arith.cmpf oeq, %sub3A_218, %eq3A_222 : vector<2048x1024xf32>
    %jit3A_224 = arith.constant 1024 : i32
    %broadcast_in_dim3A_225 = vector.broadcast %jit3A_224 : i32 to vector<2048x1024xi32>
    %select_n3A_226 = arith.select %eq3A_223, %iota3A, %broadcast_in_dim3A_225 : vector<2048x1024xi1>, vector<2048x1024xi32>
    %reduce_min3A_227 = arith.constant dense<2147483647> : vector<2048xi32>
    %reduce_min3A_228 = vector.multi_reduction <minsi>, %select_n3A_226, %reduce_min3A_227 [1] : vector<2048x1024xi32> to vector<2048xi32>
    %swap3A_229 = arith.constant 0 : index
    %swap3A_230 = arith.constant 3 : index
    %swap3A_231 = arith.constant 0 : index
    %swap3A_232 = vector.load %arg6[%swap3A_229, %swap3A_230, %swap3A_231] : memref<1x4x2048xi32, #tpu.memory_space<vmem>>, vector<1x1x2048xi32>
    %swap3A_233 = vector.shape_cast %swap3A_232 : vector<1x1x2048xi32> to vector<2048xi32>
    %swap3A_234 = vector.shape_cast %reduce_min3A_228 : vector<2048xi32> to vector<1x1x2048xi32>
    tpu.vector_store %arg6[%swap3A_229, %swap3A_230, %swap3A_231], %swap3A_234 {strides = array<i32>} : memref<1x4x2048xi32, #tpu.memory_space<vmem>>, vector<1x1x2048xi32>,
    %broadcast_in_dim3A_235 = vector.shape_cast %reduce_min3A_228 : vector<2048xi32> to vector<2048x1xi32>
    %eq3A_236 = vector.broadcast %broadcast_in_dim3A_235 : vector<2048x1xi32> to vector<2048x1024xi32>
    %eq3A_237 = arith.cmpi eq, %iota3A, %eq3A_236 : vector<2048x1024xi32>
    %convert_element_type3A_238 = arith.extui %eq3A_237 : vector<2048x1024xi1> to vector<2048x1024xi32>
    %convert_element_type3A_239 = arith.sitofp %convert_element_type3A_238 : vector<2048x1024xi32> to vector<2048x1024xf32>
    %get3A_240 = arith.constant 3 : index
    %get3A_241 = arith.constant 0 : index
    %get3A_242 = arith.constant 0 : index
    %get3A_243 = vector.load %arg2[%get3A_240, %get3A_241, %get3A_242] : memref<4x1024x256xf32, #tpu.memory_space<vmem>>, vector<1x1024x256xf32>
    %get3A_244 = vector.shape_cast %get3A_243 : vector<1x1024x256xf32> to vector<1024x256xf32>
    %dot_general3A_245 = arith.constant dense<0.000000e+00> : vector<2048x256xf32>
    %dot_general3A_246 = tpu.matmul %convert_element_type3A_239, %get3A_244, %dot_general3A_245 {dimension_numbers = #tpu.dot_dimension_numbers<[1], [0], [0], [1], [0, 0, 1, 1], [], []>, transpose_lhs_hint = false} : vector<2048x1024xf32>, vector<1024x256xf32>, vector<2048x256xf32> -> vector<2048x256xf32>
    %add3A_247 = arith.addf %add3A_180, %dot_general3A_246 : vector<2048x256xf32>
    %sub3A_248 = arith.subf %sub3A_181, %dot_general3A_246 : vector<2048x256xf32>
    %eq3A_249 = arith.constant 3 : i32
    %eq3A_250 = vector.broadcast %eq3A_249 : i32 to vector<1x128xi32>
    %eq3A_251 = arith.cmpi eq, %iota3A_3, %eq3A_250 : vector<1x128xi32>
    %mul3A_252 = arith.mulf %sub3A_248, %sub3A_248 : vector<2048x256xf32>
    %reduce_sum3A_253 = vector.shape_cast %mul3A_252 : vector<2048x256xf32> to vector<1x2048x256xf32>
    %reduce_sum3A_254 = arith.constant dense<0.000000e+00> : vector<1xf32>
    %reduce_sum3A_255 = vector.multi_reduction <add>, %reduce_sum3A_253, %reduce_sum3A_254 [1, 2] : vector<1x2048x256xf32> to vector<1xf32>
    %reduce_sum3A_256 = vector.shape_cast %reduce_sum3A_255 : vector<1xf32> to vector<1x1x1xf32>
    %reduce_sum3A_257 = vector.extract %reduce_sum3A_256[0, 0, 0] : f32 from vector<1x1x1xf32>
    %jit3A_258 = arith.constant 0.000000e+00 : f32
    %broadcast_in_dim3A_259 = vector.broadcast %reduce_sum3A_257 : f32 to vector<1x128xf32>
    %broadcast_in_dim3A_260 = vector.broadcast %jit3A_258 : f32 to vector<1x128xf32>
    %select_n3A_261 = arith.select %eq3A_251, %broadcast_in_dim3A_259, %broadcast_in_dim3A_260 : vector<1x128xi1>, vector<1x128xf32>
    %add3A_262 = arith.addf %add3A_195, %select_n3A_261 : vector<1x128xf32>
    %swap3A_263 = arith.constant 0 : index
    %swap3A_264 = arith.constant 0 : index
    %swap3A_265 = vector.load %arg5[%swap3A_263, %swap3A_264] : memref<2048x256xf32, #tpu.memory_space<vmem>>, vector<2048x256xf32>
    tpu.vector_store %arg5[%swap3A_263, %swap3A_264], %add3A_247 {strides = array<i32>} : memref<2048x256xf32, #tpu.memory_space<vmem>>, vector<2048x256xf32>,
    %swap3A_266 = arith.constant 0 : index
    %swap3A_267 = arith.constant 0 : index
    %swap3A_268 = arith.constant 0 : index
    %swap3A_269 = vector.load %arg7[%swap3A_266, %swap3A_267, %swap3A_268] : memref<1x1x128xf32, #tpu.memory_space<vmem>>, vector<1x1x128xf32>
    %swap3A_270 = vector.shape_cast %swap3A_269 : vector<1x1x128xf32> to vector<1x128xf32>
    %swap3A_271 = vector.shape_cast %add3A_262 : vector<1x128xf32> to vector<1x1x128xf32>
    tpu.vector_store %arg7[%swap3A_266, %swap3A_267, %swap3A_268], %swap3A_271 {strides = array<i32>} : memref<1x1x128xf32, #tpu.memory_space<vmem>>, vector<1x1x128xf32>,
    return
  }
  func.func @transform_0(%arg0: i32) -> (i32, i32) {
    %c0_i32 = arith.constant 0 : i32
    %c0_i32_0 = arith.constant 0 : i32
    return %arg0, %c0_i32 : i32, i32
  }
  func.func @transform_1(%arg0: i32) -> (i32, i32, i32) {
    %c0_i32 = arith.constant 0 : i32
    %c0_i32_0 = arith.constant 0 : i32
    %c0_i32_1 = arith.constant 0 : i32
    %c0_i32_2 = arith.constant 0 : i32
    return %c0_i32, %c0_i32_0, %c0_i32_1 : i32, i32, i32
  }
  func.func @transform_2(%arg0: i32) -> (i32, i32, i32) {
    %c0_i32 = arith.constant 0 : i32
    %c0_i32_0 = arith.constant 0 : i32
    %c0_i32_1 = arith.constant 0 : i32
    %c0_i32_2 = arith.constant 0 : i32
    return %c0_i32, %c0_i32_0, %c0_i32_1 : i32, i32, i32
  }
  func.func @transform_3(%arg0: i32) -> (i32, i32, i32) {
    %c0_i32 = arith.constant 0 : i32
    %c0_i32_0 = arith.constant 0 : i32
    %c0_i32_1 = arith.constant 0 : i32
    %c0_i32_2 = arith.constant 0 : i32
    return %c0_i32, %c0_i32_0, %c0_i32_1 : i32, i32, i32
  }
  func.func @transform_4(%arg0: i32) -> (i32, i32) {
    %c0_i32 = arith.constant 0 : i32
    %c0_i32_0 = arith.constant 0 : i32
    return %arg0, %c0_i32 : i32, i32
  }
  func.func @transform_5(%arg0: i32) -> (i32, i32, i32) {
    %c0_i32 = arith.constant 0 : i32
    %c0_i32_0 = arith.constant 0 : i32
    %c0_i32_1 = arith.constant 0 : i32
    return %arg0, %c0_i32, %c0_i32_0 : i32, i32, i32
  }
  func.func @transform_6(%arg0: i32) -> (i32, i32, i32) {
    %c0_i32 = arith.constant 0 : i32
    %c0_i32_0 = arith.constant 0 : i32
    %c0_i32_1 = arith.constant 0 : i32
    return %arg0, %c0_i32, %c0_i32_0 : i32, i32, i32
  }
}

</mosaic_0001>

<sc_bundles>
// kernel: sparse-core-data-format-call.1.cloned.1.call-start
scs
called_computation.1_lowered:
.L_overlay_start_0:
0x0: {  	s2 =	sld [smem:$0x3FD9]  }
0x1: {  	s3 =	sld [smem:$0x3FFE];
	_ =	sdelay $0x1  }
0x2: {  	s1 =	srdreg.scid  }
0x3: {  	s0 =	sand.u32 $0x1, s1  }
0x4: {  	s16 =	sshll.u32 s0, $0xA;
	s2 =	sadd.s32 s3, s2  }
0x5: {  	s2 =	sadd.s32 s2, s16  }
0x6: {  	[smem:$0x3FC6] =	sst s2  }
0x7: {  	_ = 	snop  }
0x8: {  	s2 =	sld [smem:$0x3FD0];
	_ =	sdelay $0x2  }
0x9: {  	s4 =	simm.s32 $0xA;
	s5 =	simm.s32 $0x10;
	s17 =	sld [smem:$0x3FC9]  }
0xa: {  	[smem:s5], [sflag:s4] =	dma.local [hbm:s2], $0x1  }
0xb: {  	_ =	swait.eq [sflag:s4], $0x1  }
0xc: {  	[sflag:s4] =	ssyncset.done $0x0  }
0xd: {  	[sflag:s4] =	ssyncadd.s32 $0xFFFFFFFF  }
0xe: {  	s18 =	sld [smem:$0x10];
	(tm) =	ssettm $0x1  }
0xf: {  	s19 =	sld [smem:$0x3FFB];
	_ =	sdelay $0x3  }
0x10: {  	_ =	strace s19  }
0x11: {  	s4 =	sld [smem:$0x3FFC];
	_ =	sdelay $0x3  }
0x12: {  	_ =	strace s4  }
0x13: {  	s4 =	sld [smem:$0x3FFD];
	_ =	sdelay $0x3  }
0x14: {  	_ =	strace s4  }
0x15: {  	_ =	strace $0x8FFFFFFF  }
0x16: {  	s20 =	sld [smem:$0x3FDB];
	_ =	sdelay $0x1  }
0x17: {  	s21 =	simm.s32 $_scs_section_size  }
0x18: {  	s6 =	simm.s32 $_size__tile_overlayer_lowered;
	s7 =	simm.s32 $_tile_overlayer_lowered  }
0x19: {  	s24 =	simm.s32 $0x1BFF;
	s23 =	sshll.u32 s7, $0x1;
	s4 =	sadd.s32 s21, s20  }
0x1a: {  	s8 =	simm.s32 $0x0;
	s22 =	sshll.u32 s6, $0x1;
	s6 =	sadd.s32 s23, s4  }
0x1b: {  	[timem:s8], [sflag:s24] =	dma.local [hbm:s6], s22  }
0x1c: {  	_ =	swait.ge [sflag:s24], s22  }
0x1d: {  	s5 =	ssub.s32 $0x0, s22;
	[sflag:s24] =	ssyncset.done $0x0  }
0x1e: {  	[sflag:s24] =	ssyncadd.s32 s5;
	_ =	sdelay $0x1  }
0x1f: {  	s25 =	simm.s32 $0x1B8B  }
0x20: {  	_ =	swait.ge [sflag:s25], $0x1  }
0x21: {  	[sflag:s25] =	ssyncset.done $0x0  }
0x22: {  	s26 =	simm.s32 $0x1B8E;
	[sflag:s25] =	ssyncadd.s32 $0xFFFFFFFF  }
0x23: {  	s27 =	simm.s32 $execute0_lowered;
	[smem:$0x3FD2] =	sst s26  }
0x24: {  	s5 =	sshll.u32 s27, $0x1;
	_ =	strace $0x80000046;
	[dreg:$0x1] =	wrdreg $0xFFFFFFFF  }
0x25: {  	s28 =	simm.s32 $_size_execute0_lowered;
	s4 =	sadd.s32 s4, s5;
	[dreg:$0x0] =	wrdreg $0x0  }
0x26: {  	s5 =	sshll.u32 s28, $0x1;
	[dreg:$0x2] =	wrdreg s4  }
0x27: {  	[dreg:$0x3] =	wrdreg s5  }
0x28: {  	[dreg:$0x4] =	wrdreg $0xC0  }
0x29: {  	_ =	task [dreg:s8], $0x5FFFF  }
0x2a: {  	[dreg:$0x1] =	wrdreg $0xFFFFFFFF  }
0x2b: {  	[dreg:$0x0] =	wrdreg $0x60  }
0x2c: {  	[dreg:$0x2] =	wrdreg s17  }
0x2d: {  	[dreg:$0x3] =	wrdreg s18  }
0x2e: {  	[dreg:$0x4] =	wrdreg $0x9  }
0x2f: {  	_ =	task.clear_ibuf [dreg:s8], $0x5FFFF;
	_ =	strace $0x90000046  }
0x30: {  	s29 =	simm.s32 $0x9;
	_ =	strace $0x80000048  }
0x31: {  	_ =	swait.ge [sflag:s29], $0x1  }
0x32: {  	[sflag:s29] =	ssyncadd.s32 $0xFFFFFFFF  }
0x33: {  	_ =	strace $0x90000048  }
0x34: {  	_ =	sfence  }
0x35: {  	s30 =	sld [smem:$0x0];
	_ =	sdelay $0x2  }
0x36: {  	s31 =	sshll.u32 s1, $0xD;
	s1 =	sshrl.u32 s1, $0x2  }
0x37: {  	s3 =	sand.u32 $0x4000, s31;
	s1 =	sadd.s32 s1, s30  }
0x38: {  	s0 =	sor.u32 s3, s0;
	s1 =	sshll.u32 s1, $0x11  }
0x39: {  	s0 =	sor.u32 s1, s0  }
0x3a: {  	s0 =	sadd.s32 $0x8F2B, s0  }
0x3b: {  	[sflag:s0] =	ssyncadd.remote.s32 $0x1  }
0x3c: {  	_ =	sfence.sel $0xFFFF  }
0x3d: {  	[dreg:$0x0] =	wrdreg $0xFFFFFFFF;
	(pc) =	sbr.abs _section_cstart, $3  }
0x3e: {  	[dreg:$0x1] =	wrdreg $0xFFFFFFFF  }
0x3f: {  	_ =	task.clear_ibuf [dreg:s8], $0x2FFFF;
	_ =	strace $0x9FFFFFFF  }
0x40: {  	(tm) =	ssettm $0x7FFFFFFF  }
0x41: {  	_ =	shalt  }
tec
execute0_lowered:
.L_overlay_start_1:
0x0: {  	(tag) =	ssettag $0x1  }
0x1: {  	s0 =	srdreg.scid;
	s1 =	rddreg [dreg:$0x0]  }
0x2: {  	s2 =	rddreg [dreg:$0x1];
	s5 =	simm.s32 $0x1;
	s7 =	simm.s32 $0x2  }
0x3: {  	s15 =	simm.s32 $0x0;
	p0 =	por $0x0, $0x0;
	s0 =	sshll.u32 s0, $0x7  }
0x4: {  	s8 =	simm.s32 $0x800;
	s13 =	simm.s32 $0x0;
	s3 =	sand.u32 $0x80, s0  }
0x5: {  	s14 =	simm.s32 $0x0;
	s9 =	simm.s32 $0x0;
	s4 =	ssub.s32 $0x100, s3  }
.Ltmp0:
0x6: {  	s11 =	stileid.u32;
	s6 =	sshrl.u32 s4, $0x7;
	(pc) =	sbr.rel .LBB1_1-.Ltmp0, $4  }
0x7: {  	s12 =	simm.s32 $0x0;
	s4 =	sshrl.u32 s4, $0x8;
	s6 =	sand.u32 $0x1, s6  }
0x8: {  	s0 =	rddreg [dreg:$0x2];
	_ =	strace $0x80000047;
	s6 =	sadd.s32 s4, s6  }
0x9: {  	[sflag:s5] =	ssyncpa.u1 $0x0;
	s10 =	smov.u32 s3;
	s6 =	sshll.u32 s6, $0x4  }
0xa: {  	[sflag:s7] =	ssyncpa.u1 $0x0;
	s4 =	stileid.u32;
	s7 =	sor.u32 $0x1, s6  }
.LBB1_4:
0xb: {  	v5 =	vld [tilespmem:s18+$0xFFFFFFD0];
	[tilespmem:s19+$0x2040 ss:$0x81] =	vst.msk $0xffff, v1  }
0xc: {  	v58 =	vld [tilespmem:s18+$0xFFFFFFE0];
	[tilespmem:s19+$0x2850 ss:$0x81] =	vst.msk $0xffff, v2  }
0xd: {  	s20 =	sshra.s32 s20, $0x2;
	v59 =	vld [tilespmem:s18+$0xFFFFFFF0];
	[tilespmem:s19+$0x3060 ss:$0x81] =	vst.msk $0xffff, v3  }
0xe: {  	v60 =	vld [tilespmem:s18+$0x0];
	[tilespmem:s19+$0x0 ss:$0x81] =	vst.msk $0xffff, v0;
	s17 =	sadd.s32 s20, s17  }
0xf: {  	v61 =	vld [tilespmem:s18+$0x10];
	s25 =	sshll.u32 s15, $0x8;
	[tilespmem:s17+$0x3870 ss:$0x81] =	vst.msk $0xffff, v4  }
0x10: {  	s26 =	sshll.u32 s13, $0x3;
	v62 =	vld [tilespmem:s18+$0x20];
	s27 =	sshll.u32 s15, $0x7;
	s30 =	sand.u32 $0x78, s13;
	[tilespmem:s17+$0x810 ss:$0x81] =	vst.msk $0xffff, v5  }
0x11: {  	v63 =	vld [tilespmem:s18+$0xFFFFFFC0];
	s14 =	sshll.u32 s14, $0x10;
	s19 =	sand.u32 $0x7F800, s25;
	s20 =	sand.u32 $0x7FC00, s26;
	[tilespmem:s17+$0x1020 ss:$0x81] =	vst.msk $0xffff, v58  }
0x12: {  	s29 =	sand.u32 $0x300, s27;
	s15 =	sand.u32 $0x80, s27;
	s28 =	sadd.s32 s20, s19;
	[tilespmem:s17+$0x1830 ss:$0x81] =	vst.msk $0xffff, v59  }
0x13: {  	s31 =	sand.u32 $0x7, s13;
	s15 =	sor.u32 s30, s15;
	s18 =	sor.u32 s29, s28;
	[tilespmem:s17+$0x2040 ss:$0x81] =	vst.msk $0xffff, v60  }
0x14: {  	s14 =	sadd.s32 s2, s14;
	s15 =	sshrl.u32 s15, $0x3;
	s18 =	sshrl.u32 s18, $0x3;
	[tilespmem:s17+$0x2850 ss:$0x81] =	vst.msk $0xffff, v61  }
0x15: {  	s13 =	sshll.u32 s31, $0x12;
	s14 =	sadd.s32 s15, s14;
	[tilespmem:s17+$0x3060 ss:$0x81] =	vst.msk $0xffff, v62;
	s18 =	sand.u32 $0xFFE0, s18  }
0x16: {  	s13 =	sor.u32 $0x400, s13;
	[tilespmem:s17+$0x0 ss:$0x81] =	vst.msk $0xffff, v63;
	s14 =	sadd.s32 s18, s14  }
0x17: {  	[hbm4b:s14+s13] =	stream.strided.scatter [tilespmem:s16], [sflag:$0x2], $0x4000, s8, s13, $0x20;
	[tilespmem:$0x10100] =	vst v63  }
.LBB1_5:
0x18: {  	s16 =	sadd.s32 $0x80, s9  }
0x19: {  	s13 =	sadd.s32 $0x100, s10;
	s17 =	smov.u32 s10;
	p2 =	sgt.s32 s16, $0x7FF  }
0x1a: {  	s17 =	smov.u32 @p2 s13  }
0x1b: {  	s19 =	smov.u32 s11;
	s13 =	sadd.s32 $0x10, s11;
	p3 =	sgt.s32 s17, $0xFF  }
0x1c: {  	s19 =	smov.u32 @p3 s13  }
0x1d: {  	s16 =	simm.s32 @p2 $0x0;
	p2 =	sgt.s32 s19, $0xF  }
0x1e: {  	p1 =	slt.u32 s12, $0x2;
	s19 =	smov.u32 @p2 s4;
	p2 =	sne.s32 s12, s7  }
.Ltmp1:
0x1f: {  	s18 =	simm.s32 @!p1 $0x2;
	(pc) =	sbr.rel @!p2 .LBB1_6-.Ltmp1, $4  }
0x20: {  	s15 =	smov.u32 s9;
	s14 =	smov.u32 s11;
	_ =	swait.ge @!p1 [sflag:s18], $0x4000  }
0x21: {  	p0 =	por !p0, !p0;
	[sflag:s18] =	ssyncset.done @!p1 $0x0;
	s9 =	smov.u32 s16  }
0x22: {  	s17 =	smov.u32 @p3 s3;
	s13 =	smov.u32 s10;
	[sflag:s18] =	ssyncadd.s32 @!p1 $0xFFFFC000  }
0x23: {  	s10 =	smov.u32 s17;
	s12 =	sadd.s32 $0x1, s12;
	s11 =	smov.u32 s19  }
.LBB1_1:
0x24: {  	p1 =	sge.u32 s12, s6;
	s31 =	sadd.s32 $0xFFFFFFFF, s12  }
0x25: {  	s16 =	sxor.u32 @!p1 $0xFFFFFFFF, s12;
	s17 =	sand.u32 @!p1 $0x78, s9;
	s18 =	sshll.u32 @!p1 s10, $0xB  }
0x26: {  	s19 =	sshll.u32 @!p1 s10, $0x7;
	s20 =	sshll.u32 @!p1 s9, $0x3;
	s16 =	sshll.u32 @!p1 s16, $0xE  }
0x27: {  	s18 =	sand.u32 @!p1 $0x7C000, s18;
	s19 =	sand.u32 @!p1 $0x380, s19;
	s16 =	sand.u32 @!p1 $0x4000, s16  }
0x28: {  	s18 =	sadd.s32 @!p1 s18, s20;
	s20 =	sand.u32 @!p1 $0x400, s20;
	s17 =	sor.u32 @!p1 s19, s17  }
0x29: {  	s19 =	sshll.u32 @!p1 s11, $0x10;
	s17 =	sor.u32 @!p1 s20, s17;
	s18 =	sshrl.u32 @!p1 s18, $0x3  }
0x2a: {  	s19 =	sadd.s32 @!p1 s1, s19;
	s20 =	sand.u32 @!p1 $0x7, s9;
	s18 =	sand.u32 @!p1 $0xFF00, s18  }
0x2b: {  	s17 =	sshrl.u32 @!p1 s17, $0x3;
	s18 =	sadd.s32 @!p1 s18, s19;
	s19 =	sshll.u32 @!p1 s20, $0x12  }
0x2c: {  	s17 =	sadd.s32 @!p1 s17, s18;
	s18 =	sor.u32 @!p1 $0x400, s19;
	s19 =	simm.s32 @!p1 $0x4000  }
0x2d: {  	[tilespmem:s16], [sflag:$0x1] =	stream.strided.gather @!p1 [hbm4b:s17+s18], $0x4000, s19, s18, $0x38;
	[tilespmem:$0x10100] =	vst v63  }
0x2e: {  	p1 =	sge.u32 s31, s6  }
.Ltmp2:
0x2f: {  	_ = 	snop;
	(pc) =	sbr.rel @p1 .LBB1_5-.Ltmp2, $1  }
0x30: {  	_ =	sdelay $0x3  }
0x31: {  	s16 =	simm.s32 $0x1  }
0x32: {  	_ =	swait.ge [sflag:s5], $0x4000;
	s16 =	simm.s32 @!p0 $0x0  }
0x33: {  	[sflag:s5] =	ssyncset.done $0x0;
	s17 =	sshll.u32 s16, $0xE  }
0x34: {  	[sflag:s5] =	ssyncadd.s32 $0xFFFFC000;
	s18 =	sor.u32 $0x40, s17  }
0x35: {  	s16 =	smul.u32 $0x10200, s16;
	v0 =	vld [tilespmem:s18+$0x30]  }
0x36: {  	v3 =	vld [tilespmem:s18+$0xFFFFFFD0]  }
0x37: {  	s16 =	sshrl.u32 s16, $0x2;
	v4 =	vld [tilespmem:s18+$0xFFFFFFE0]  }
0x38: {  	v5 =	vld [tilespmem:s18+$0xFFFFFFF0];
	s17 =	sor.u32 $0x8000, s16  }
0x39: {  	s31 =	sand.u32 $0x1, s12;
	v1 =	vld [tilespmem:s18+$0x0];
	s19 =	sadd.s32 $0x0, s17  }
0x3a: {  	v2 =	vld [tilespmem:s18+$0x10];
	s16 =	smul.u32 $0x10200, s31;
	[tilespmem:s19+$0x3870 ss:$0x81] =	vst.msk $0xffff, v0  }
0x3b: {  	[tilespmem:s19+$0x810 ss:$0x81] =	vst.msk $0xffff, v3;
	v3 =	vld [tilespmem:s18+$0x20]  }
0x3c: {  	s16 =	sshrl.u32 s16, $0x2;
	v0 =	vld [tilespmem:s18+$0xFFFFFFC0];
	[tilespmem:s19+$0x1020 ss:$0x81] =	vst.msk $0xffff, v4;
	s18 =	sadd.s32 $0x80, s18  }
0x3d: {  	s20 =	simm.s32 $0x4;
	s21 =	simm.s32 $0x8;
	s16 =	sor.u32 $0x8000, s16;
	[tilespmem:s19+$0x1830 ss:$0x81] =	vst.msk $0xffff, v5;
	v4 =	vld [tilespmem:s18+$0x30]  }
.LBB1_3:
0x3e: {  	p1 =	sne.s32 s21, $0x1FC;
	v5 =	vld [tilespmem:s18+$0xFFFFFFD0];
	[tilespmem:s19+$0x2040 ss:$0x81] =	vst.msk $0xffff, v1  }
0x3f: {  	v6 =	vld [tilespmem:s18+$0xFFFFFFE0];
	[tilespmem:s19+$0x2850 ss:$0x81] =	vst.msk $0xffff, v2  }
0x40: {  	s22 =	sshra.s32 s20, $0x2;
	s20 =	smov.u32 s21;
	v7 =	vld [tilespmem:s18+$0xFFFFFFF0];
	[tilespmem:s19+$0x3060 ss:$0x81] =	vst.msk $0xffff, v3  }
.Ltmp3:
0x41: {  	v1 =	vld [tilespmem:s18+$0x0];
	[tilespmem:s19+$0x0 ss:$0x81] =	vst.msk $0xffff, v0;
	s19 =	sadd.s32 s22, s17;
	(pc) =	sbr.rel @p1 .LBB1_3-.Ltmp3, $4  }
0x42: {  	v2 =	vld [tilespmem:s18+$0x10];
	[tilespmem:s19+$0x3870 ss:$0x81] =	vst.msk $0xffff, v4  }
0x43: {  	[tilespmem:s19+$0x810 ss:$0x81] =	vst.msk $0xffff, v5;
	v3 =	vld [tilespmem:s18+$0x20]  }
0x44: {  	v0 =	vld [tilespmem:s18+$0xFFFFFFC0];
	[tilespmem:s19+$0x1020 ss:$0x81] =	vst.msk $0xffff, v6;
	s18 =	sadd.s32 $0x80, s18  }
0x45: {  	s21 =	sadd.s32 $0x4, s21;
	v4 =	vld [tilespmem:s18+$0x30];
	[tilespmem:s19+$0x1830 ss:$0x81] =	vst.msk $0xffff, v7  }
.Ltmp4:
0x46: {  	_ = 	snop;
	(pc) =	sbr.rel .LBB1_4-.Ltmp4, $1  }
0x47: {  	_ =	sdelay $0x3  }
.LBB1_6:
0x48: {  	_ =	sfence.sel $0x180000  }
0x49: {  	s1 =	simm.s32 $0x1;
	[bflag:$0x0] =	sbarrier.arrive $0xFFFF  }
0x4a: {  	s31 =	simm.s32 $0x2;
	[sflag:s1] =	ssyncpa.u1 $0x1  }
0x4b: {  	[sflag:s31] =	ssyncpa.u1 $0x1  }
0x4c: {  	p0 =	sne.s32 s4, $0x0;
	_ =	strace $0x90000047  }
0x4d: {  	s0 =	sadd.s32 @!p0 $0x100000, s0;
	[bflag:$0x2] =	sbarrier.arrive $0xFFFF  }
0x4e: {  	[sflag:s0] =	ssyncadd.tile.s32 @!p0 $0x1;
	_ =	shalt  }
.Lfunc_end1:
_tile_overlayer_lowered:
.L_overlay_start_2:
0x4f: {  	(tag) =	ssettag $0x2  }
0x50: {  	s0 =	rddreg [dreg:$0x0];
	s2 =	stileid.u32  }
0x51: {  	s1 =	rddreg [dreg:$0x1];
	p0 =	sne.s32 s2, $0x0  }
0x52: {  	s3 =	rddreg [dreg:$0x2];
	[bflag:$0x3] =	sbarrier.arrive $0xFFFF;
	s2 =	simm.s32 @!p0 $0x1C01  }
0x53: {  	[timem:s3], [sflag:s2] =	dma.local @!p0 [hbm:s0], s1  }
0x54: {  	s0 =	simm.s32 @!p0 $0x1  }
0x55: {  	_ =	swait.ge @!p0 [sflag:s0], s1  }
0x56: {  	s1 =	ssub.s32 @!p0 $0x0, s1;
	[sflag:s0] =	ssyncset.done @!p0 $0x0  }
0x57: {  	[sflag:s0] =	ssyncadd.s32 @!p0 s1  }
0x58: {  	[bflag:$0x3] =	sbarrier.arrive $0xFFFF  }
0x59: {  	_ =	shalt  }

// kernel: sparse-core-data-format-call.cloned.1.call-start
scs
called_computation_lowered:
.L_overlay_start_0:
0x0: {  	s2 =	sld [smem:$0x3FD9]  }
0x1: {  	s3 =	sld [smem:$0x3FFE];
	_ =	sdelay $0x1  }
0x2: {  	s1 =	srdreg.scid  }
0x3: {  	s0 =	sand.u32 $0x1, s1  }
0x4: {  	s15 =	sshll.u32 s0, $0xA;
	s2 =	sadd.s32 s3, s2  }
0x5: {  	s2 =	sadd.s32 s2, s15  }
0x6: {  	[smem:$0x3FC6] =	sst s2  }
0x7: {  	_ = 	snop  }
0x8: {  	s2 =	sld [smem:$0x3FD0];
	_ =	sdelay $0x2  }
0x9: {  	s16 =	simm.s32 $0xA;
	s4 =	simm.s32 $0x10  }
0xa: {  	[smem:s4], [sflag:s16] =	dma.local [hbm:s2], $0x1  }
0xb: {  	_ =	swait.eq [sflag:s16], $0x1  }
0xc: {  	[sflag:s16] =	ssyncset.done $0x0  }
0xd: {  	[sflag:s16] =	ssyncadd.s32 $0xFFFFFFFF  }
0xe: {  	s17 =	sld [smem:$0x10];
	(tm) =	ssettm $0x1  }
0xf: {  	s18 =	sld [smem:$0x3FFB];
	_ =	sdelay $0x3  }
0x10: {  	_ =	strace s18  }
0x11: {  	s3 =	sld [smem:$0x3FFC];
	_ =	sdelay $0x3  }
0x12: {  	_ =	strace s3  }
0x13: {  	s3 =	sld [smem:$0x3FFD];
	_ =	sdelay $0x3  }
0x14: {  	_ =	strace s3  }
0x15: {  	_ =	strace $0x8FFFFFFF  }
0x16: {  	s19 =	sld [smem:$0x3FDB];
	_ =	sdelay $0x1  }
0x17: {  	s20 =	simm.s32 $_scs_section_size  }
0x18: {  	s5 =	simm.s32 $_size__tile_overlayer_lowered;
	s6 =	simm.s32 $_tile_overlayer_lowered  }
0x19: {  	s23 =	simm.s32 $0x1BFF;
	s22 =	sshll.u32 s6, $0x1;
	s3 =	sadd.s32 s20, s19  }
0x1a: {  	s7 =	simm.s32 $0x0;
	s21 =	sshll.u32 s5, $0x1;
	s5 =	sadd.s32 s22, s3  }
0x1b: {  	[timem:s7], [sflag:s23] =	dma.local [hbm:s5], s21  }
0x1c: {  	_ =	swait.ge [sflag:s23], s21  }
0x1d: {  	s4 =	ssub.s32 $0x0, s21;
	[sflag:s23] =	ssyncset.done $0x0  }
0x1e: {  	[sflag:s23] =	ssyncadd.s32 s4;
	_ =	sdelay $0x1  }
0x1f: {  	s24 =	simm.s32 $0x1B8B  }
0x20: {  	_ =	swait.ge [sflag:s24], $0x1  }
0x21: {  	[sflag:s24] =	ssyncset.done $0x0  }
0x22: {  	s26 =	simm.s32 $0x1B8E;
	s25 =	sld [smem:$0x3FFE];
	[sflag:s24] =	ssyncadd.s32 $0xFFFFFFFF  }
0x23: {  	s27 =	simm.s32 $execute0_lowered;
	[smem:$0x3FD2] =	sst s26  }
0x24: {  	s5 =	sshll.u32 s27, $0x1;
	_ =	strace $0x80000049;
	[dreg:$0x1] =	wrdreg $0xFFFFFFFF  }
0x25: {  	s28 =	simm.s32 $_size_execute0_lowered;
	s3 =	sadd.s32 s3, s5;
	[dreg:$0x0] =	wrdreg $0x0  }
0x26: {  	s5 =	sshll.u32 s28, $0x1;
	[dreg:$0x2] =	wrdreg s3  }
0x27: {  	[dreg:$0x3] =	wrdreg s5  }
0x28: {  	[dreg:$0x4] =	wrdreg $0xC0  }
0x29: {  	_ =	task [dreg:s7], $0x5FFFF  }
0x2a: {  	[dreg:$0x1] =	wrdreg $0xFFFFFFFF  }
0x2b: {  	[dreg:$0x0] =	wrdreg $0x60  }
0x2c: {  	[dreg:$0x2] =	wrdreg s25  }
0x2d: {  	[dreg:$0x3] =	wrdreg s17  }
0x2e: {  	[dreg:$0x4] =	wrdreg $0x9  }
0x2f: {  	_ =	task.clear_ibuf [dreg:s7], $0x5FFFF;
	_ =	strace $0x90000049  }
0x30: {  	s29 =	simm.s32 $0x9;
	_ =	strace $0x8000004B  }
0x31: {  	_ =	swait.ge [sflag:s29], $0x1  }
0x32: {  	[sflag:s29] =	ssyncadd.s32 $0xFFFFFFFF  }
0x33: {  	_ =	strace $0x9000004B  }
0x34: {  	_ =	sfence  }
0x35: {  	s30 =	sld [smem:$0x0];
	_ =	sdelay $0x2  }
0x36: {  	s31 =	sshll.u32 s1, $0xD;
	s1 =	sshrl.u32 s1, $0x2  }
0x37: {  	s3 =	sand.u32 $0x4000, s31;
	s1 =	sadd.s32 s1, s30  }
0x38: {  	s0 =	sor.u32 s3, s0;
	s1 =	sshll.u32 s1, $0x11  }
0x39: {  	s0 =	sor.u32 s1, s0  }
0x3a: {  	s0 =	sadd.s32 $0x8F2B, s0  }
0x3b: {  	[sflag:s0] =	ssyncadd.remote.s32 $0x1  }
0x3c: {  	_ =	sfence.sel $0xFFFF  }
0x3d: {  	[dreg:$0x0] =	wrdreg $0xFFFFFFFF;
	(pc) =	sbr.abs _section_cstart, $3  }
0x3e: {  	[dreg:$0x1] =	wrdreg $0xFFFFFFFF  }
0x3f: {  	_ =	task.clear_ibuf [dreg:s7], $0x2FFFF;
	_ =	strace $0x9FFFFFFF  }
0x40: {  	(tm) =	ssettm $0x7FFFFFFF  }
0x41: {  	_ =	shalt  }
tec
execute0_lowered:
.L_overlay_start_1:
0x0: {  	(tag) =	ssettag $0x1  }
0x1: {  	s3 =	rddreg [dreg:$0x0]  }
0x2: {  	s0 =	srdreg.scid;
	s1 =	rddreg [dreg:$0x1]  }
0x3: {  	s5 =	simm.s32 $0x1;
	s7 =	simm.s32 $0x2;
	s15 =	simm.s32 $0x0  }
0x4: {  	p0 =	por $0x0, $0x0;
	s13 =	simm.s32 $0x0;
	s14 =	simm.s32 $0x0  }
0x5: {  	s9 =	simm.s32 $0x0;
	s11 =	stileid.u32;
	s0 =	sshll.u32 s0, $0x7  }
0x6: {  	s12 =	simm.s32 $0x0;
	s2 =	sand.u32 $0x80, s0;
	s0 =	rddreg [dreg:$0x2]  }
.Ltmp0:
0x7: {  	_ =	strace $0x8000004A;
	s6 =	ssub.s32 $0x800, s2;
	(pc) =	sbr.rel .LBB1_1-.Ltmp0, $4  }
0x8: {  	s4 =	sadd.s32 $0x200, s3;
	[sflag:s5] =	ssyncpa.u1 $0x0;
	s31 =	sshrl.u32 s6, $0x7  }
0x9: {  	s10 =	smov.u32 s2;
	s6 =	sshrl.u32 s6, $0x8;
	s3 =	sand.u32 $0x1, s31  }
0xa: {  	[sflag:s7] =	ssyncpa.u1 $0x0;
	s8 =	sadd.s32 s6, s3;
	s3 =	stileid.u32  }
0xb: {  	s6 =	sshll.u32 s8, $0x1;
	s7 =	sshllo.u32 s8, $0x1;
	s8 =	simm.s32 $0x4000  }
.LBB1_4:
0xc: {  	v5 =	vld [tilespmem:s18+$0xFFFFFFD0];
	[tilespmem:s19+$0x2040 ss:$0x81] =	vst.msk $0xffff, v1  }
0xd: {  	v58 =	vld [tilespmem:s18+$0xFFFFFFE0];
	[tilespmem:s19+$0x2850 ss:$0x81] =	vst.msk $0xffff, v2  }
0xe: {  	s20 =	sshra.s32 s20, $0x2;
	v59 =	vld [tilespmem:s18+$0xFFFFFFF0];
	[tilespmem:s19+$0x3060 ss:$0x81] =	vst.msk $0xffff, v3  }
0xf: {  	v60 =	vld [tilespmem:s18+$0x0];
	[tilespmem:s19+$0x0 ss:$0x81] =	vst.msk $0xffff, v0;
	s17 =	sadd.s32 s20, s17  }
0x10: {  	v61 =	vld [tilespmem:s18+$0x10];
	s26 =	sshll.u32 s15, $0xB;
	[tilespmem:s17+$0x3870 ss:$0x81] =	vst.msk $0xffff, v4  }
0x11: {  	v62 =	vld [tilespmem:s18+$0x20];
	s27 =	sand.u32 $0x78, s13;
	s21 =	sshll.u32 s13, $0x3;
	s29 =	sshll.u32 s15, $0x7;
	[tilespmem:s17+$0x810 ss:$0x81] =	vst.msk $0xffff, v5  }
0x12: {  	v63 =	vld [tilespmem:s18+$0xFFFFFFC0];
	s14 =	sshll.u32 s14, $0x10;
	s19 =	sand.u32 $0x7C000, s26;
	s28 =	sand.u32 $0x7FC00, s21;
	[tilespmem:s17+$0x1020 ss:$0x81] =	vst.msk $0xffff, v58  }
0x13: {  	s31 =	sand.u32 $0x7, s13;
	s21 =	sand.u32 $0x400, s21;
	s18 =	sadd.s32 s28, s19;
	[tilespmem:s17+$0x1830 ss:$0x81] =	vst.msk $0xffff, v59  }
0x14: {  	s15 =	sand.u32 $0x380, s29;
	s30 =	sor.u32 s27, s21;
	s18 =	sshrl.u32 s18, $0x3;
	[tilespmem:s17+$0x2040 ss:$0x81] =	vst.msk $0xffff, v60  }
0x15: {  	s14 =	sadd.s32 s1, s14;
	s15 =	sor.u32 s15, s30;
	s18 =	sand.u32 $0xFF00, s18;
	[tilespmem:s17+$0x2850 ss:$0x81] =	vst.msk $0xffff, v61  }
0x16: {  	s13 =	sshll.u32 s31, $0x12;
	s15 =	sshrl.u32 s15, $0x3;
	[tilespmem:s17+$0x3060 ss:$0x81] =	vst.msk $0xffff, v62;
	s14 =	sadd.s32 s18, s14  }
0x17: {  	s13 =	sor.u32 $0x400, s13;
	[tilespmem:s17+$0x0 ss:$0x81] =	vst.msk $0xffff, v63;
	s14 =	sadd.s32 s15, s14  }
0x18: {  	[hbm4b:s14+s13] =	stream.strided.scatter [tilespmem:s16], [sflag:$0x2], $0x4000, s8, s13, $0x20;
	[tilespmem:$0x10100] =	vst v63  }
.LBB1_5:
0x19: {  	s16 =	sadd.s32 $0x80, s9  }
0x1a: {  	s13 =	sadd.s32 $0x100, s10;
	s17 =	smov.u32 s10;
	p2 =	sgt.s32 s16, $0xFF  }
0x1b: {  	s17 =	smov.u32 @p2 s13  }
0x1c: {  	s19 =	smov.u32 s11;
	s13 =	sadd.s32 $0x10, s11;
	p3 =	sgt.s32 s17, $0x7FF  }
0x1d: {  	s19 =	smov.u32 @p3 s13  }
0x1e: {  	s16 =	simm.s32 @p2 $0x0;
	p2 =	sgt.s32 s19, $0xF  }
0x1f: {  	p1 =	slt.u32 s12, $0x2;
	s19 =	smov.u32 @p2 s3;
	p2 =	sne.s32 s12, s7  }
.Ltmp1:
0x20: {  	s18 =	simm.s32 @!p1 $0x2;
	(pc) =	sbr.rel @!p2 .LBB1_6-.Ltmp1, $4  }
0x21: {  	s15 =	smov.u32 s9;
	s14 =	smov.u32 s11;
	_ =	swait.ge @!p1 [sflag:s18], $0x4000  }
0x22: {  	p0 =	por !p0, !p0;
	[sflag:s18] =	ssyncset.done @!p1 $0x0;
	s9 =	smov.u32 s16  }
0x23: {  	s17 =	smov.u32 @p3 s2;
	s13 =	smov.u32 s10;
	[sflag:s18] =	ssyncadd.s32 @!p1 $0xFFFFC000  }
0x24: {  	s10 =	smov.u32 s17;
	s12 =	sadd.s32 $0x1, s12;
	s11 =	smov.u32 s19  }
.LBB1_1:
0x25: {  	p1 =	sge.u32 s12, s6  }
0x26: {  	s31 =	sadd.s32 $0xFFFFFFFF, s12;
	s16 =	sxor.u32 @!p1 $0xFFFFFFFF, s12  }
0x27: {  	s17 =	sshll.u32 @!p1 s10, $0x8;
	s18 =	sshll.u32 @!p1 s9, $0x3;
	s19 =	sshll.u32 @!p1 s10, $0x7  }
0x28: {  	s20 =	sand.u32 @!p1 $0x78, s9;
	s17 =	sand.u32 @!p1 $0x7F800, s17;
	s18 =	sand.u32 @!p1 $0x7FC00, s18  }
0x29: {  	s16 =	sshll.u32 @!p1 s16, $0xE;
	s17 =	sadd.s32 @!p1 s17, s18;
	s18 =	sand.u32 @!p1 $0x300, s19  }
0x2a: {  	s16 =	sand.u32 @!p1 $0x4000, s16;
	s17 =	sor.u32 @!p1 s18, s17;
	s18 =	sand.u32 @!p1 $0x80, s19  }
0x2b: {  	s19 =	sshll.u32 @!p1 s11, $0x10;
	s18 =	sor.u32 @!p1 s20, s18;
	s17 =	sshrl.u32 @!p1 s17, $0x3  }
0x2c: {  	s19 =	sadd.s32 @!p1 s4, s19;
	s20 =	sand.u32 @!p1 $0x7, s9;
	s18 =	sshrl.u32 @!p1 s18, $0x3  }
0x2d: {  	s17 =	sand.u32 @!p1 $0xFFE0, s17;
	s18 =	sadd.s32 @!p1 s18, s19;
	s19 =	sshll.u32 @!p1 s20, $0x12  }
0x2e: {  	s17 =	sadd.s32 @!p1 s17, s18;
	s18 =	sor.u32 @!p1 $0x400, s19;
	s19 =	simm.s32 @!p1 $0x800  }
0x2f: {  	[tilespmem:s16], [sflag:$0x1] =	stream.strided.gather @!p1 [hbm4b:s17+s18], $0x4000, s19, s18, $0x38;
	[tilespmem:$0x10100] =	vst v63  }
0x30: {  	p1 =	sge.u32 s31, s6  }
.Ltmp2:
0x31: {  	_ = 	snop;
	(pc) =	sbr.rel @p1 .LBB1_5-.Ltmp2, $1  }
0x32: {  	_ =	sdelay $0x3  }
0x33: {  	s16 =	simm.s32 $0x1  }
0x34: {  	_ =	swait.ge [sflag:s5], $0x4000;
	s16 =	simm.s32 @!p0 $0x0  }
0x35: {  	[sflag:s5] =	ssyncset.done $0x0;
	s17 =	sshll.u32 s16, $0xE  }
0x36: {  	[sflag:s5] =	ssyncadd.s32 $0xFFFFC000;
	s18 =	sor.u32 $0x40, s17  }
0x37: {  	s16 =	smul.u32 $0x10200, s16;
	v0 =	vld [tilespmem:s18+$0x30]  }
0x38: {  	v3 =	vld [tilespmem:s18+$0xFFFFFFD0]  }
0x39: {  	s16 =	sshrl.u32 s16, $0x2;
	v4 =	vld [tilespmem:s18+$0xFFFFFFE0]  }
0x3a: {  	v5 =	vld [tilespmem:s18+$0xFFFFFFF0];
	s17 =	sor.u32 $0x8000, s16  }
0x3b: {  	s31 =	sand.u32 $0x1, s12;
	v1 =	vld [tilespmem:s18+$0x0];
	s19 =	sadd.s32 $0x0, s17  }
0x3c: {  	v2 =	vld [tilespmem:s18+$0x10];
	s16 =	smul.u32 $0x10200, s31;
	[tilespmem:s19+$0x3870 ss:$0x81] =	vst.msk $0xffff, v0  }
0x3d: {  	[tilespmem:s19+$0x810 ss:$0x81] =	vst.msk $0xffff, v3;
	v3 =	vld [tilespmem:s18+$0x20]  }
0x3e: {  	s16 =	sshrl.u32 s16, $0x2;
	v0 =	vld [tilespmem:s18+$0xFFFFFFC0];
	[tilespmem:s19+$0x1020 ss:$0x81] =	vst.msk $0xffff, v4;
	s18 =	sadd.s32 $0x80, s18  }
0x3f: {  	s20 =	simm.s32 $0x4;
	s21 =	simm.s32 $0x8;
	s16 =	sor.u32 $0x8000, s16;
	[tilespmem:s19+$0x1830 ss:$0x81] =	vst.msk $0xffff, v5;
	v4 =	vld [tilespmem:s18+$0x30]  }
.LBB1_3:
0x40: {  	p1 =	sne.s32 s21, $0x1FC;
	v5 =	vld [tilespmem:s18+$0xFFFFFFD0];
	[tilespmem:s19+$0x2040 ss:$0x81] =	vst.msk $0xffff, v1  }
0x41: {  	v6 =	vld [tilespmem:s18+$0xFFFFFFE0];
	[tilespmem:s19+$0x2850 ss:$0x81] =	vst.msk $0xffff, v2  }
0x42: {  	s22 =	sshra.s32 s20, $0x2;
	s20 =	smov.u32 s21;
	v7 =	vld [tilespmem:s18+$0xFFFFFFF0];
	[tilespmem:s19+$0x3060 ss:$0x81] =	vst.msk $0xffff, v3  }
.Ltmp3:
0x43: {  	v1 =	vld [tilespmem:s18+$0x0];
	[tilespmem:s19+$0x0 ss:$0x81] =	vst.msk $0xffff, v0;
	s19 =	sadd.s32 s22, s17;
	(pc) =	sbr.rel @p1 .LBB1_3-.Ltmp3, $4  }
0x44: {  	v2 =	vld [tilespmem:s18+$0x10];
	[tilespmem:s19+$0x3870 ss:$0x81] =	vst.msk $0xffff, v4  }
0x45: {  	[tilespmem:s19+$0x810 ss:$0x81] =	vst.msk $0xffff, v5;
	v3 =	vld [tilespmem:s18+$0x20]  }
0x46: {  	v0 =	vld [tilespmem:s18+$0xFFFFFFC0];
	[tilespmem:s19+$0x1020 ss:$0x81] =	vst.msk $0xffff, v6;
	s18 =	sadd.s32 $0x80, s18  }
0x47: {  	s21 =	sadd.s32 $0x4, s21;
	v4 =	vld [tilespmem:s18+$0x30];
	[tilespmem:s19+$0x1830 ss:$0x81] =	vst.msk $0xffff, v7  }
.Ltmp4:
0x48: {  	_ = 	snop;
	(pc) =	sbr.rel .LBB1_4-.Ltmp4, $1  }
0x49: {  	_ =	sdelay $0x3  }
.LBB1_6:
0x4a: {  	_ =	sfence.sel $0x180000  }
0x4b: {  	s1 =	simm.s32 $0x1;
	[bflag:$0x0] =	sbarrier.arrive $0xFFFF  }
0x4c: {  	s31 =	simm.s32 $0x2;
	[sflag:s1] =	ssyncpa.u1 $0x1  }
0x4d: {  	[sflag:s31] =	ssyncpa.u1 $0x1  }
0x4e: {  	p0 =	sne.s32 s3, $0x0;
	_ =	strace $0x9000004A  }
0x4f: {  	s0 =	sadd.s32 @!p0 $0x100000, s0;
	[bflag:$0x2] =	sbarrier.arrive $0xFFFF  }
0x50: {  	[sflag:s0] =	ssyncadd.tile.s32 @!p0 $0x1;
	_ =	shalt  }
.Lfunc_end1:
_tile_overlayer_lowered:
.L_overlay_start_2:
0x51: {  	(tag) =	ssettag $0x2  }
0x52: {  	s0 =	rddreg [dreg:$0x0];
	s2 =	stileid.u32  }
0x53: {  	s1 =	rddreg [dreg:$0x1];
	p0 =	sne.s32 s2, $0x0  }
0x54: {  	s3 =	rddreg [dreg:$0x2];
	[bflag:$0x3] =	sbarrier.arrive $0xFFFF;
	s2 =	simm.s32 @!p0 $0x1C01  }
0x55: {  	[timem:s3], [sflag:s2] =	dma.local @!p0 [hbm:s0], s1  }
0x56: {  	s0 =	simm.s32 @!p0 $0x1  }
0x57: {  	_ =	swait.ge @!p0 [sflag:s0], s1  }
0x58: {  	s1 =	ssub.s32 @!p0 $0x0, s1;
	[sflag:s0] =	ssyncset.done @!p0 $0x0  }
0x59: {  	[sflag:s0] =	ssyncadd.s32 @!p0 s1  }
0x5a: {  	[bflag:$0x3] =	sbarrier.arrive $0xFFFF  }
0x5b: {  	_ =	shalt  }

</sc_bundles>
